<compile_context>
chip_gen: v7x
topology: tpu7x:2x2x1
jax: 0.10.2.dev20260603
libtpu: 0.0.44.dev20260713+nightly
codegen_flags: <defaults>
</compile_context>

<pallas_src>
import functools

import jax
import jax.numpy as jnp
import numpy as np
from jax import lax
from jax.experimental import pallas as pl
from jax.experimental.pallas import tpu as pltpu
from jax.experimental.pallas import tpu_sc as plsc

_K = 128
_NUM_PAIR = 512
_START = 0.0
_STOP = 9.0

_MEAN = np.linspace(_START, _STOP, _K).astype(np.float32)
_STD = np.float32(_MEAN[1] - _MEAN[0])
_INV_STD = np.float32(1.0) / _STD
_A = np.float32((2.0 * 3.14159) ** 0.5)
_LN_C = np.float32(np.log(1.0 / (_A * _STD)))

_NC = 2
_NS = 16
_NW = _NC * _NS
_L = 16

_NBUF = 4


def _sc_affine_body(pairs_hbm, x_hbm, mul_hbm, bias_hbm, y_hbm,
                    pairs_v, x_v, y_v, mul_v, bias_v, insems):
    e_per_w = y_v.shape[0]
    wid = lax.axis_index("s") * _NC + lax.axis_index("c")
    base = wid * e_per_w
    copies = [
        pltpu.async_copy(pairs_hbm.at[pl.ds(base * 2, e_per_w * 2)],
                         pairs_v, insems.at[0]),
        pltpu.async_copy(x_hbm.at[pl.ds(base, e_per_w)], x_v, insems.at[1]),
        pltpu.async_copy(mul_hbm, mul_v, insems.at[2]),
        pltpu.async_copy(bias_hbm, bias_v, insems.at[3]),
    ]
    for c in copies:
        c.wait()

    lane2 = 2 * lax.iota(jnp.int32, _L)

    @plsc.parallel_loop(0, e_per_w // _L, unroll=8)
    def _gather_affine(i):
        pos0 = i * (2 * _L) + lane2
        i0 = plsc.load_gather(pairs_v, [pos0])
        i1 = plsc.load_gather(pairs_v, [pos0 + 1])
        m = jnp.abs(plsc.load_gather(mul_v, [i0])) + jnp.abs(
            plsc.load_gather(mul_v, [i1]))
        b = plsc.load_gather(bias_v, [i0]) + plsc.load_gather(bias_v, [i1])
        xv = x_v[pl.ds(i * _L, _L)]
        y_v[pl.ds(i * _L, _L)] = m * xv + b

    pltpu.sync_copy(y_v, y_hbm.at[pl.ds(base, e_per_w)])


def _sc_affine(pairs, x_flat, mul_t, bias_t):
    e = x_flat.shape[0]
    e_per_w = e // _NW
    mesh = plsc.VectorSubcoreMesh(core_axis_name="c", subcore_axis_name="s",
                                  num_cores=_NC, num_subcores=_NS)
    fn = pl.kernel(
        _sc_affine_body,
        out_type=jax.ShapeDtypeStruct((e,), jnp.float32),
        mesh=mesh,
        compiler_params=pltpu.CompilerParams(needs_layout_passes=False),
        scratch_types=[
            pltpu.VMEM((e_per_w * 2,), jnp.int32),
            pltpu.VMEM((e_per_w,), jnp.float32),
            pltpu.VMEM((e_per_w,), jnp.float32),
            pltpu.VMEM((_NUM_PAIR,), jnp.float32),
            pltpu.VMEM((_NUM_PAIR,), jnp.float32),
            pltpu.SemaphoreType.DMA((4,)),
        ],
    )
    return fn(pairs, x_flat, mul_t, bias_t)


def _tc_expand_body(nsteps, y_ref, o_hbm, o_buf, sems):
    i = pl.program_id(0)
    slot = lax.rem(i, _NBUF)
    r = o_buf.shape[1]

    @pl.when(i >= _NBUF)
    def _wait_prev():
        pltpu.make_async_copy(
            o_buf.at[slot],
            o_hbm.at[pl.ds((i - _NBUF) * r, r)],
            sems.at[slot]).wait()

    y = y_ref[...]
    shape = (r, y.shape[1], _K)
    kf = lax.broadcasted_iota(jnp.int32, shape, 2).astype(jnp.float32)
    t = y[:, :, None] * _INV_STD - kf
    o_buf[slot] = jnp.exp(t * t * np.float32(-0.5) + _LN_C)
    pltpu.make_async_copy(
        o_buf.at[slot], o_hbm.at[pl.ds(i * r, r)], sems.at[slot]).start()

    @pl.when(i == nsteps - 1)
    def _drain():
        for s in range(_NBUF):
            step = nsteps - _NBUF + s
            pltpu.make_async_copy(
                o_buf.at[step % _NBUF],
                o_hbm.at[pl.ds(step * r, r)],
                sems.at[step % _NBUF]).wait()


def _tc_expand(y2d, rows_per_block):
    rows, cols = y2d.shape
    nsteps = rows // rows_per_block
    return pl.pallas_call(
        functools.partial(_tc_expand_body, nsteps),
        grid=(nsteps,),
        in_specs=[pl.BlockSpec((rows_per_block, cols), lambda i: (i, 0))],
        out_specs=pl.BlockSpec(memory_space=pl.ANY),
        out_shape=jax.ShapeDtypeStruct((rows, cols, _K), jnp.float32),
        scratch_shapes=[
            pltpu.VMEM((_NBUF, rows_per_block, cols, _K), jnp.float32),
            pltpu.SemaphoreType.DMA((_NBUF,)),
        ],
        compiler_params=pltpu.CompilerParams(
            dimension_semantics=("arbitrary",)),
    )(y2d)


def kernel(x, atom_pair, mul_weight, bias_weight):
    b, n = x.shape[0], x.shape[1]
    e = b * n * n
    pairs = atom_pair.reshape(e * 2)
    x_flat = x.reshape(e)
    mul_t = mul_weight.reshape(_NUM_PAIR)
    bias_t = bias_weight.reshape(_NUM_PAIR)
    y = _sc_affine(pairs, x_flat, mul_t, bias_t)
    out = _tc_expand(y.reshape(b * n, n), rows_per_block=32)
    return out.reshape(b, n, n, _K)

# --- scband reference (transcript-rebuilt; emitter-appended) ---
"""Pipeline reference for scband-gaussian-kernel-36825049596582 (READ-ONLY COPY).

The authoritative reference and input builder live on the scoring server;
editing this copy changes nothing except your own understanding.
"""

import jax, jax.numpy as jnp
import numpy as np

K = 128
NUM_PAIR = 512
STD_WIDTH = 1.0
START = 0.0
STOP = 9.0


def setup_inputs(seed: int = 0) -> dict:
    key = jax.random.key(seed)
    k1, k2, k3, k4 = jax.random.split(key, 4)
    B, N = 4, 256
    # distances in [0, 9) matching the Gaussian kernel support
    x = jax.random.uniform(k1, (B, N, N), dtype=jnp.float32) * 9.0
    # pair-type indices; last dim 2 = (src_atom_type, dst_atom_type) as in Uni-Mol
    atom_pair = jax.random.randint(k2, (B, N, N, 2), 0, NUM_PAIR, dtype=jnp.int32)
    # mul embedding: initialized to 1.0 (plus tiny noise for a non-degenerate test), padding row 0 zeroed
    mul_weight = 1.0 + 0.02 * jax.random.normal(k3, (NUM_PAIR, 1), dtype=jnp.float32)
    mul_weight = mul_weight.at[0].set(0.0)
    # bias embedding: initialized to 0.0 (tiny noise), padding row 0 zeroed
    bias_weight = 0.02 * jax.random.normal(k4, (NUM_PAIR, 1), dtype=jnp.float32)
    bias_weight = bias_weight.at[0].set(0.0)
    return {"x": x, "atom_pair": atom_pair, "mul_weight": mul_weight, "bias_weight": bias_weight}


def _gaussian(x, mean, std):
    pi = 3.14159
    a = (2 * pi) ** 0.5
    return jnp.exp(-0.5 * ((x - mean) / std) ** 2) / (a * std)


def reference(x, atom_pair, mul_weight, bias_weight):
    mean = jnp.linspace(START, STOP, K).astype(jnp.float32)
    std = STD_WIDTH * (mean[1] - mean[0])
    # embedding gathers: [B,N,N,2,1] -> sum over the pair axis -> [B,N,N,1]
    mul = jnp.abs(jnp.take(mul_weight, atom_pair, axis=0)).sum(axis=-2)
    bias = jnp.take(bias_weight, atom_pair, axis=0).sum(axis=-2)
    y = mul * x[..., None] + bias  # [B,N,N,1]
    y = jnp.broadcast_to(y, x.shape + (K,))  # [B,N,N,K]
    return _gaussian(y.astype(jnp.float32), mean.reshape(-1), std)

if __name__ == "__main__":
    import jax
    _d = setup_inputs()
    print(jax.jit(kernel)(*tuple(_d.values())))

</pallas_src>

<mosaic_0001>
#map = affine_map<(d0, d1) -> (0)>
module attributes {stable_mosaic.version = 14 : i64} {
  func.func @_sc_affine_body(%arg0: i32, %arg1: i32, %arg2: memref<524288xi32, #tpu.memory_space<hbm>>, %arg3: memref<262144xf32, #tpu.memory_space<hbm>>, %arg4: memref<512xf32, #tpu.memory_space<hbm>>, %arg5: memref<512xf32, #tpu.memory_space<hbm>>, %arg6: memref<262144xf32, #tpu.memory_space<hbm>>, %arg7: memref<16384xi32, #tpu.memory_space<vmem>>, %arg8: memref<8192xf32, #tpu.memory_space<vmem>>, %arg9: memref<8192xf32, #tpu.memory_space<vmem>>, %arg10: memref<512xf32, #tpu.memory_space<vmem>>, %arg11: memref<512xf32, #tpu.memory_space<vmem>>, %arg12: memref<4x!tpu.dma_semaphore, #tpu.memory_space<semaphore_mem>>) attributes {dimension_semantics = [#tpu.dimension_semantics<core_parallel>, #tpu.dimension_semantics<subcore_parallel>], iteration_bounds = array<i64: 2, 16>, scalar_prefetch = 0 : i64, scratch_operands = 6 : i64, tpu.core_type = #tpu.core_type<sc_vector_subcore>, window_params = [{transform_indices = #map}, {transform_indices = #map}, {transform_indices = #map}, {transform_indices = #map}, {transform_indices = #map}]} {
    %mul3A = arith.constant 2 : i32
    %mul3A_0 = arith.muli %arg1, %mul3A : i32
    %add3A = arith.addi %mul3A_0, %arg0 : i32
    %mul3A_1 = arith.constant 8192 : i32
    %mul3A_2 = arith.muli %add3A, %mul3A_1 : i32
    %mul3A_3 = arith.constant 2 : i32
    %mul3A_4 = arith.muli %mul3A_2, %mul3A_3 : i32
    %dma_start3A = arith.constant 0 : i32
    %dma_start3A_5 = tpu.memref_slice %arg2[%mul3A_4] : memref<524288xi32, #tpu.memory_space<hbm>> -> memref<16384xi32, #tpu.memory_space<hbm>>
    %dma_start3A_6 = tpu.memref_slice %arg12[%dma_start3A] : memref<4x!tpu.dma_semaphore, #tpu.memory_space<semaphore_mem>> -> memref<1x!tpu.dma_semaphore, #tpu.memory_space<semaphore_mem>>
    %dma_start3A_7 = tpu.memref_squeeze %dma_start3A_6 : memref<1x!tpu.dma_semaphore, #tpu.memory_space<semaphore_mem>> -> memref<!tpu.dma_semaphore, #tpu.memory_space<semaphore_mem>>
    %dma_start3A_8 = tpu.memref_slice %arg2[%mul3A_4] : memref<524288xi32, #tpu.memory_space<hbm>> -> memref<16384xi32, #tpu.memory_space<hbm>>
    tpu.enqueue_dma source(%dma_start3A_8 : memref<16384xi32, #tpu.memory_space<hbm>>) target(%arg7 : memref<16384xi32, #tpu.memory_space<vmem>>) target_semaphore(%dma_start3A_7 : memref<!tpu.dma_semaphore, #tpu.memory_space<semaphore_mem>>)
    %dma_start3A_9 = arith.constant 1 : i32
    %dma_start3A_10 = tpu.memref_slice %arg3[%mul3A_2] : memref<262144xf32, #tpu.memory_space<hbm>> -> memref<8192xf32, #tpu.memory_space<hbm>>
    %dma_start3A_11 = tpu.memref_slice %arg12[%dma_start3A_9] : memref<4x!tpu.dma_semaphore, #tpu.memory_space<semaphore_mem>> -> memref<1x!tpu.dma_semaphore, #tpu.memory_space<semaphore_mem>>
    %dma_start3A_12 = tpu.memref_squeeze %dma_start3A_11 : memref<1x!tpu.dma_semaphore, #tpu.memory_space<semaphore_mem>> -> memref<!tpu.dma_semaphore, #tpu.memory_space<semaphore_mem>>
    %dma_start3A_13 = tpu.memref_slice %arg3[%mul3A_2] : memref<262144xf32, #tpu.memory_space<hbm>> -> memref<8192xf32, #tpu.memory_space<hbm>>
    tpu.enqueue_dma source(%dma_start3A_13 : memref<8192xf32, #tpu.memory_space<hbm>>) target(%arg8 : memref<8192xf32, #tpu.memory_space<vmem>>) target_semaphore(%dma_start3A_12 : memref<!tpu.dma_semaphore, #tpu.memory_space<semaphore_mem>>)
    %dma_start3A_14 = arith.constant 2 : i32
    %dma_start3A_15 = tpu.memref_slice %arg12[%dma_start3A_14] : memref<4x!tpu.dma_semaphore, #tpu.memory_space<semaphore_mem>> -> memref<1x!tpu.dma_semaphore, #tpu.memory_space<semaphore_mem>>
    %dma_start3A_16 = tpu.memref_squeeze %dma_start3A_15 : memref<1x!tpu.dma_semaphore, #tpu.memory_space<semaphore_mem>> -> memref<!tpu.dma_semaphore, #tpu.memory_space<semaphore_mem>>
    tpu.enqueue_dma source(%arg4 : memref<512xf32, #tpu.memory_space<hbm>>) target(%arg10 : memref<512xf32, #tpu.memory_space<vmem>>) target_semaphore(%dma_start3A_16 : memref<!tpu.dma_semaphore, #tpu.memory_space<semaphore_mem>>)
    %dma_start3A_17 = arith.constant 3 : i32
    %dma_start3A_18 = tpu.memref_slice %arg12[%dma_start3A_17] : memref<4x!tpu.dma_semaphore, #tpu.memory_space<semaphore_mem>> -> memref<1x!tpu.dma_semaphore, #tpu.memory_space<semaphore_mem>>
    %dma_start3A_19 = tpu.memref_squeeze %dma_start3A_18 : memref<1x!tpu.dma_semaphore, #tpu.memory_space<semaphore_mem>> -> memref<!tpu.dma_semaphore, #tpu.memory_space<semaphore_mem>>
    tpu.enqueue_dma source(%arg5 : memref<512xf32, #tpu.memory_space<hbm>>) target(%arg11 : memref<512xf32, #tpu.memory_space<vmem>>) target_semaphore(%dma_start3A_19 : memref<!tpu.dma_semaphore, #tpu.memory_space<semaphore_mem>>)
    %dma_wait3A = arith.constant 0 : i32
    %dma_wait3A_20 = tpu.memref_slice %arg2[%mul3A_4] : memref<524288xi32, #tpu.memory_space<hbm>> -> memref<16384xi32, #tpu.memory_space<hbm>>
    %dma_wait3A_21 = tpu.memref_slice %arg12[%dma_wait3A] : memref<4x!tpu.dma_semaphore, #tpu.memory_space<semaphore_mem>> -> memref<1x!tpu.dma_semaphore, #tpu.memory_space<semaphore_mem>>
    %dma_wait3A_22 = tpu.memref_squeeze %dma_wait3A_21 : memref<1x!tpu.dma_semaphore, #tpu.memory_space<semaphore_mem>> -> memref<!tpu.dma_semaphore, #tpu.memory_space<semaphore_mem>>
    %dma_wait3A_23 = tpu.memref_slice %arg2[%mul3A_4] : memref<524288xi32, #tpu.memory_space<hbm>> -> memref<16384xi32, #tpu.memory_space<hbm>>
    tpu.wait_dma2 semaphore(%dma_wait3A_22 : memref<!tpu.dma_semaphore, #tpu.memory_space<semaphore_mem>>) src(%dma_wait3A_23 : memref<16384xi32, #tpu.memory_space<hbm>>) dst(%arg7 : memref<16384xi32, #tpu.memory_space<vmem>>)
    %dma_wait3A_24 = arith.constant 1 : i32
    %dma_wait3A_25 = tpu.memref_slice %arg3[%mul3A_2] : memref<262144xf32, #tpu.memory_space<hbm>> -> memref<8192xf32, #tpu.memory_space<hbm>>
    %dma_wait3A_26 = tpu.memref_slice %arg12[%dma_wait3A_24] : memref<4x!tpu.dma_semaphore, #tpu.memory_space<semaphore_mem>> -> memref<1x!tpu.dma_semaphore, #tpu.memory_space<semaphore_mem>>
    %dma_wait3A_27 = tpu.memref_squeeze %dma_wait3A_26 : memref<1x!tpu.dma_semaphore, #tpu.memory_space<semaphore_mem>> -> memref<!tpu.dma_semaphore, #tpu.memory_space<semaphore_mem>>
    %dma_wait3A_28 = tpu.memref_slice %arg3[%mul3A_2] : memref<262144xf32, #tpu.memory_space<hbm>> -> memref<8192xf32, #tpu.memory_space<hbm>>
    tpu.wait_dma2 semaphore(%dma_wait3A_27 : memref<!tpu.dma_semaphore, #tpu.memory_space<semaphore_mem>>) src(%dma_wait3A_28 : memref<8192xf32, #tpu.memory_space<hbm>>) dst(%arg8 : memref<8192xf32, #tpu.memory_space<vmem>>)
    %dma_wait3A_29 = arith.constant 2 : i32
    %dma_wait3A_30 = tpu.memref_slice %arg12[%dma_wait3A_29] : memref<4x!tpu.dma_semaphore, #tpu.memory_space<semaphore_mem>> -> memref<1x!tpu.dma_semaphore, #tpu.memory_space<semaphore_mem>>
    %dma_wait3A_31 = tpu.memref_squeeze %dma_wait3A_30 : memref<1x!tpu.dma_semaphore, #tpu.memory_space<semaphore_mem>> -> memref<!tpu.dma_semaphore, #tpu.memory_space<semaphore_mem>>
    tpu.wait_dma2 semaphore(%dma_wait3A_31 : memref<!tpu.dma_semaphore, #tpu.memory_space<semaphore_mem>>) src(%arg4 : memref<512xf32, #tpu.memory_space<hbm>>) dst(%arg10 : memref<512xf32, #tpu.memory_space<vmem>>)
    %dma_wait3A_32 = arith.constant 3 : i32
    %dma_wait3A_33 = tpu.memref_slice %arg12[%dma_wait3A_32] : memref<4x!tpu.dma_semaphore, #tpu.memory_space<semaphore_mem>> -> memref<1x!tpu.dma_semaphore, #tpu.memory_space<semaphore_mem>>
    %dma_wait3A_34 = tpu.memref_squeeze %dma_wait3A_33 : memref<1x!tpu.dma_semaphore, #tpu.memory_space<semaphore_mem>> -> memref<!tpu.dma_semaphore, #tpu.memory_space<semaphore_mem>>
    tpu.wait_dma2 semaphore(%dma_wait3A_34 : memref<!tpu.dma_semaphore, #tpu.memory_space<semaphore_mem>>) src(%arg5 : memref<512xf32, #tpu.memory_space<hbm>>) dst(%arg11 : memref<512xf32, #tpu.memory_space<vmem>>)
    %iota3A = tpu.iota {dimensions = array<i32: 0>} : vector<16xi32>
    %mul3A_35 = arith.constant 2 : i32
    %mul3A_36 = vector.broadcast %mul3A_35 : i32 to vector<16xi32>
    %mul3A_37 = arith.muli %mul3A_36, %iota3A : vector<16xi32>
    %parallel_loop3A = arith.constant 0 : i32
    %parallel_loop3A_38 = arith.constant 512 : i32
    %parallel_loop3A_39 = arith.constant 1 : i32
    scf.for %parallel_loop3A_40 = %parallel_loop3A to %parallel_loop3A_38 step %parallel_loop3A_39  : i32 {
      %parallel_loop3A_41 = arith.constant 32 : i32
      %parallel_loop3A_42 = arith.muli %parallel_loop3A_40, %parallel_loop3A_41 : i32
      %parallel_loop3A_43 = vector.broadcast %parallel_loop3A_42 : i32 to vector<16xi32>
      %parallel_loop3A_44 = arith.addi %parallel_loop3A_43, %mul3A_37 : vector<16xi32>
      %parallel_loop3A_45 = tpu.vector_load_idx %arg7[%parallel_loop3A_44] : memref<16384xi32, #tpu.memory_space<vmem>>[vector<16xi32>], vector<16xi32>,
      %parallel_loop3A_46 = arith.constant 1 : i32
      %parallel_loop3A_47 = vector.broadcast %parallel_loop3A_46 : i32 to vector<16xi32>
      %parallel_loop3A_48 = arith.addi %parallel_loop3A_44, %parallel_loop3A_47 : vector<16xi32>
      %parallel_loop3A_49 = tpu.vector_load_idx %arg7[%parallel_loop3A_48] : memref<16384xi32, #tpu.memory_space<vmem>>[vector<16xi32>], vector<16xi32>,
      %parallel_loop3A_50 = tpu.vector_load_idx %arg10[%parallel_loop3A_45] : memref<512xf32, #tpu.memory_space<vmem>>[vector<16xi32>], vector<16xf32>,
      %parallel_loop3A_51 = math.absf %parallel_loop3A_50 : vector<16xf32>
      %parallel_loop3A_52 = tpu.vector_load_idx %arg10[%parallel_loop3A_49] : memref<512xf32, #tpu.memory_space<vmem>>[vector<16xi32>], vector<16xf32>,
      %parallel_loop3A_53 = math.absf %parallel_loop3A_52 : vector<16xf32>
      %parallel_loop3A_54 = arith.addf %parallel_loop3A_51, %parallel_loop3A_53 : vector<16xf32>
      %parallel_loop3A_55 = tpu.vector_load_idx %arg11[%parallel_loop3A_45] : memref<512xf32, #tpu.memory_space<vmem>>[vector<16xi32>], vector<16xf32>,
      %parallel_loop3A_56 = tpu.vector_load_idx %arg11[%parallel_loop3A_49] : memref<512xf32, #tpu.memory_space<vmem>>[vector<16xi32>], vector<16xf32>,
      %parallel_loop3A_57 = arith.addf %parallel_loop3A_55, %parallel_loop3A_56 : vector<16xf32>
      %parallel_loop3A_58 = arith.constant 16 : i32
      %parallel_loop3A_59 = arith.muli %parallel_loop3A_40, %parallel_loop3A_58 : i32
      %parallel_loop3A_60 = arith.index_cast %parallel_loop3A_59 : i32 to index
      %parallel_loop3A_61 = tpu.vector_load %arg8[%parallel_loop3A_60] {strides = array<i32>} : memref<8192xf32, #tpu.memory_space<vmem>>, vector<16xf32>,
      %parallel_loop3A_62 = arith.mulf %parallel_loop3A_54, %parallel_loop3A_61 : vector<16xf32>
      %parallel_loop3A_63 = arith.addf %parallel_loop3A_62, %parallel_loop3A_57 : vector<16xf32>
      %parallel_loop3A_64 = arith.constant 16 : i32
      %parallel_loop3A_65 = arith.muli %parallel_loop3A_40, %parallel_loop3A_64 : i32
      %parallel_loop3A_66 = arith.index_cast %parallel_loop3A_65 : i32 to index
      %parallel_loop3A_67 = tpu.vector_load %arg9[%parallel_loop3A_66] {strides = array<i32>} : memref<8192xf32, #tpu.memory_space<vmem>>, vector<16xf32>,
      tpu.vector_store %arg9[%parallel_loop3A_66], %parallel_loop3A_63 {strides = array<i32>} : memref<8192xf32, #tpu.memory_space<vmem>>, vector<16xf32>,
    } {sc.loop_unroll_factor = 8 : i64, sc.parallel_access}
    "tpu.region"() ({
      %run_scoped3A = tpu.sem_alloc : memref<!tpu.dma_semaphore, #tpu.memory_space<semaphore_mem>>
      %dma_start3A_40 = tpu.memref_slice %arg6[%mul3A_2] : memref<262144xf32, #tpu.memory_space<hbm>> -> memref<8192xf32, #tpu.memory_space<hbm>>
      %dma_start3A_41 = tpu.memref_slice %arg6[%mul3A_2] : memref<262144xf32, #tpu.memory_space<hbm>> -> memref<8192xf32, #tpu.memory_space<hbm>>
      tpu.enqueue_dma source(%arg9 : memref<8192xf32, #tpu.memory_space<vmem>>) target(%dma_start3A_41 : memref<8192xf32, #tpu.memory_space<hbm>>) target_semaphore(%run_scoped3A : memref<!tpu.dma_semaphore, #tpu.memory_space<semaphore_mem>>)
      %dma_wait3A_42 = tpu.memref_slice %arg6[%mul3A_2] : memref<262144xf32, #tpu.memory_space<hbm>> -> memref<8192xf32, #tpu.memory_space<hbm>>
      %dma_wait3A_43 = tpu.memref_slice %arg6[%mul3A_2] : memref<262144xf32, #tpu.memory_space<hbm>> -> memref<8192xf32, #tpu.memory_space<hbm>>
      tpu.wait_dma2 semaphore(%run_scoped3A : memref<!tpu.dma_semaphore, #tpu.memory_space<semaphore_mem>>) src(%arg9 : memref<8192xf32, #tpu.memory_space<vmem>>) dst(%dma_wait3A_43 : memref<8192xf32, #tpu.memory_space<hbm>>)
      tpu.yield
    }) : () -> ()
    return
  }
}

module attributes {stable_mosaic.version = 14 : i64} {
  func.func @_tc_expand_body(%arg0: i32, %arg1: memref<32x256xf32, #tpu.memory_space<vmem>>, %arg2: memref<1024x256x128xf32, #tpu.memory_space<any>>, %arg3: memref<4x32x256x128xf32, #tpu.memory_space<vmem>>, %arg4: memref<4x!tpu.dma_semaphore, #tpu.memory_space<semaphore_mem>>) attributes {dimension_semantics = [#tpu.dimension_semantics<arbitrary>], iteration_bounds = array<i64: 32>, scalar_prefetch = 0 : i64, scratch_operands = 2 : i64, tpu.core_type = #tpu.core_type<tc>, window_params = [{transform_indices = @transform_0, window_bounds = array<i64: 32, 256>}, {}]} {
    %rem3A = arith.constant 4 : i32
    %rem3A_0 = arith.remsi %arg0, %rem3A : i32
    %ge3A = arith.constant 4 : i32
    %ge3A_1 = arith.cmpi sge, %arg0, %ge3A : i32
    %convert_element_type3A = arith.extui %ge3A_1 : i1 to i32
    %cond3A = arith.constant 0 : i32
    %cond3A_2 = arith.cmpi ne, %convert_element_type3A, %cond3A : i32
    scf.if %cond3A_2 {
      %sub3A_36 = arith.constant 4 : i32
      %sub3A_37 = arith.subi %arg0, %sub3A_36 : i32
      %mul3A_38 = arith.constant 32 : i32
      %mul3A_39 = arith.muli %sub3A_37, %mul3A_38 : i32
      %dma_wait3A = tpu.memref_slice %arg4[%rem3A_0] : memref<4x!tpu.dma_semaphore, #tpu.memory_space<semaphore_mem>> -> memref<1x!tpu.dma_semaphore, #tpu.memory_space<semaphore_mem>>
      %dma_wait3A_40 = tpu.memref_squeeze %dma_wait3A : memref<1x!tpu.dma_semaphore, #tpu.memory_space<semaphore_mem>> -> memref<!tpu.dma_semaphore, #tpu.memory_space<semaphore_mem>>
      %dma_wait3A_41 = arith.constant 0 : i32
      %dma_wait3A_42 = arith.constant 0 : i32
      %dma_wait3A_43 = tpu.memref_slice %arg2[%mul3A_39, %dma_wait3A_41, %dma_wait3A_42] : memref<1024x256x128xf32, #tpu.memory_space<any>> -> memref<32x256x128xf32, #tpu.memory_space<any>>
      %dma_wait3A_44 = arith.constant 0 : i32
      %dma_wait3A_45 = arith.constant 0 : i32
      %dma_wait3A_46 = arith.constant 0 : i32
      %dma_wait3A_47 = tpu.memref_slice %arg3[%rem3A_0, %dma_wait3A_44, %dma_wait3A_45, %dma_wait3A_46] : memref<4x32x256x128xf32, #tpu.memory_space<vmem>> -> memref<1x32x256x128xf32, #tpu.memory_space<vmem>>
      %dma_wait3A_48 = tpu.memref_squeeze %dma_wait3A_47 : memref<1x32x256x128xf32, #tpu.memory_space<vmem>> -> memref<32x256x128xf32, #tpu.memory_space<vmem>>
      tpu.wait_dma2 semaphore(%dma_wait3A_40 : memref<!tpu.dma_semaphore, #tpu.memory_space<semaphore_mem>>) src(%dma_wait3A_48 : memref<32x256x128xf32, #tpu.memory_space<vmem>>) dst(%dma_wait3A_43 : memref<32x256x128xf32, #tpu.memory_space<any>>)
    } else {
    }
    %get3A = arith.constant 0 : index
    %get3A_3 = arith.constant 0 : index
    %get3A_4 = vector.load %arg1[%get3A, %get3A_3] : memref<32x256xf32, #tpu.memory_space<vmem>>, vector<32x256xf32>
    %iota3A = tpu.iota {dimensions = array<i32: 2>} : vector<32x256x128xi32>
    %convert_element_type3A_5 = arith.sitofp %iota3A : vector<32x256x128xi32> to vector<32x256x128xf32>
    %broadcast_in_dim3A = vector.shape_cast %get3A_4 : vector<32x256xf32> to vector<32x256x1xf32>
    %mul3A = arith.constant 14.1111107 : f32
    %mul3A_6 = vector.broadcast %mul3A : f32 to vector<32x256x1xf32>
    %mul3A_7 = arith.mulf %broadcast_in_dim3A, %mul3A_6 : vector<32x256x1xf32>
    %sub3A = vector.broadcast %mul3A_7 : vector<32x256x1xf32> to vector<32x256x128xf32>
    %sub3A_8 = arith.subf %sub3A, %convert_element_type3A_5 : vector<32x256x128xf32>
    %mul3A_9 = arith.mulf %sub3A_8, %sub3A_8 : vector<32x256x128xf32>
    %mul3A_10 = arith.constant -5.000000e-01 : f32
    %mul3A_11 = vector.broadcast %mul3A_10 : f32 to vector<32x256x128xf32>
    %mul3A_12 = arith.mulf %mul3A_9, %mul3A_11 : vector<32x256x128xf32>
    %add3A = arith.constant 1.72802436 : f32
    %add3A_13 = vector.broadcast %add3A : f32 to vector<32x256x128xf32>
    %add3A_14 = arith.addf %mul3A_12, %add3A_13 : vector<32x256x128xf32>
    %exp3A = math.exp %add3A_14 : vector<32x256x128xf32>
    %swap3A = arith.index_cast %rem3A_0 : i32 to index
    %swap3A_15 = arith.constant 0 : index
    %swap3A_16 = arith.constant 0 : index
    %swap3A_17 = arith.constant 0 : index
    %swap3A_18 = vector.load %arg3[%swap3A, %swap3A_15, %swap3A_16, %swap3A_17] : memref<4x32x256x128xf32, #tpu.memory_space<vmem>>, vector<1x32x256x128xf32>
    %swap3A_19 = vector.shape_cast %swap3A_18 : vector<1x32x256x128xf32> to vector<32x256x128xf32>
    %swap3A_20 = vector.shape_cast %exp3A : vector<32x256x128xf32> to vector<1x32x256x128xf32>
    tpu.vector_store %arg3[%swap3A, %swap3A_15, %swap3A_16, %swap3A_17], %swap3A_20 {strides = array<i32>} : memref<4x32x256x128xf32, #tpu.memory_space<vmem>>, vector<1x32x256x128xf32>,
    %mul3A_21 = arith.constant 32 : i32
    %mul3A_22 = arith.muli %arg0, %mul3A_21 : i32
    %dma_start3A = tpu.memref_slice %arg4[%rem3A_0] : memref<4x!tpu.dma_semaphore, #tpu.memory_space<semaphore_mem>> -> memref<1x!tpu.dma_semaphore, #tpu.memory_space<semaphore_mem>>
    %dma_start3A_23 = tpu.memref_squeeze %dma_start3A : memref<1x!tpu.dma_semaphore, #tpu.memory_space<semaphore_mem>> -> memref<!tpu.dma_semaphore, #tpu.memory_space<semaphore_mem>>
    %dma_start3A_24 = arith.constant 0 : i32
    %dma_start3A_25 = arith.constant 0 : i32
    %dma_start3A_26 = tpu.memref_slice %arg2[%mul3A_22, %dma_start3A_24, %dma_start3A_25] : memref<1024x256x128xf32, #tpu.memory_space<any>> -> memref<32x256x128xf32, #tpu.memory_space<any>>
    %dma_start3A_27 = arith.constant 0 : i32
    %dma_start3A_28 = arith.constant 0 : i32
    %dma_start3A_29 = arith.constant 0 : i32
    %dma_start3A_30 = tpu.memref_slice %arg3[%rem3A_0, %dma_start3A_27, %dma_start3A_28, %dma_start3A_29] : memref<4x32x256x128xf32, #tpu.memory_space<vmem>> -> memref<1x32x256x128xf32, #tpu.memory_space<vmem>>
    %dma_start3A_31 = tpu.memref_squeeze %dma_start3A_30 : memref<1x32x256x128xf32, #tpu.memory_space<vmem>> -> memref<32x256x128xf32, #tpu.memory_space<vmem>>
    tpu.enqueue_dma source(%dma_start3A_31 : memref<32x256x128xf32, #tpu.memory_space<vmem>>) target(%dma_start3A_26 : memref<32x256x128xf32, #tpu.memory_space<any>>) target_semaphore(%dma_start3A_23 : memref<!tpu.dma_semaphore, #tpu.memory_space<semaphore_mem>>)
    %eq3A = arith.constant 31 : i32
    %eq3A_32 = arith.cmpi eq, %arg0, %eq3A : i32
    %convert_element_type3A_33 = arith.extui %eq3A_32 : i1 to i32
    %cond3A_34 = arith.constant 0 : i32
    %cond3A_35 = arith.cmpi ne, %convert_element_type3A_33, %cond3A_34 : i32
    scf.if %cond3A_35 {
      %dma_wait3A = arith.constant 0 : i32
      %dma_wait3A_36 = arith.constant 0 : i32
      %dma_wait3A_37 = tpu.memref_slice %arg4[%dma_wait3A_36] : memref<4x!tpu.dma_semaphore, #tpu.memory_space<semaphore_mem>> -> memref<1x!tpu.dma_semaphore, #tpu.memory_space<semaphore_mem>>
      %dma_wait3A_38 = tpu.memref_squeeze %dma_wait3A_37 : memref<1x!tpu.dma_semaphore, #tpu.memory_space<semaphore_mem>> -> memref<!tpu.dma_semaphore, #tpu.memory_space<semaphore_mem>>
      %dma_wait3A_39 = arith.constant 896 : i32
      %dma_wait3A_40 = arith.constant 0 : i32
      %dma_wait3A_41 = arith.constant 0 : i32
      %dma_wait3A_42 = tpu.memref_slice %arg2[%dma_wait3A_39, %dma_wait3A_40, %dma_wait3A_41] : memref<1024x256x128xf32, #tpu.memory_space<any>> -> memref<32x256x128xf32, #tpu.memory_space<any>>
      %dma_wait3A_43 = arith.constant 0 : i32
      %dma_wait3A_44 = arith.constant 0 : i32
      %dma_wait3A_45 = arith.constant 0 : i32
      %dma_wait3A_46 = tpu.memref_slice %arg3[%dma_wait3A, %dma_wait3A_43, %dma_wait3A_44, %dma_wait3A_45] : memref<4x32x256x128xf32, #tpu.memory_space<vmem>> -> memref<1x32x256x128xf32, #tpu.memory_space<vmem>>
      %dma_wait3A_47 = tpu.memref_squeeze %dma_wait3A_46 : memref<1x32x256x128xf32, #tpu.memory_space<vmem>> -> memref<32x256x128xf32, #tpu.memory_space<vmem>>
      tpu.wait_dma2 semaphore(%dma_wait3A_38 : memref<!tpu.dma_semaphore, #tpu.memory_space<semaphore_mem>>) src(%dma_wait3A_47 : memref<32x256x128xf32, #tpu.memory_space<vmem>>) dst(%dma_wait3A_42 : memref<32x256x128xf32, #tpu.memory_space<any>>)
      %dma_wait3A_48 = arith.constant 1 : i32
      %dma_wait3A_49 = arith.constant 1 : i32
      %dma_wait3A_50 = tpu.memref_slice %arg4[%dma_wait3A_49] : memref<4x!tpu.dma_semaphore, #tpu.memory_space<semaphore_mem>> -> memref<1x!tpu.dma_semaphore, #tpu.memory_space<semaphore_mem>>
      %dma_wait3A_51 = tpu.memref_squeeze %dma_wait3A_50 : memref<1x!tpu.dma_semaphore, #tpu.memory_space<semaphore_mem>> -> memref<!tpu.dma_semaphore, #tpu.memory_space<semaphore_mem>>
      %dma_wait3A_52 = arith.constant 928 : i32
      %dma_wait3A_53 = arith.constant 0 : i32
      %dma_wait3A_54 = arith.constant 0 : i32
      %dma_wait3A_55 = tpu.memref_slice %arg2[%dma_wait3A_52, %dma_wait3A_53, %dma_wait3A_54] : memref<1024x256x128xf32, #tpu.memory_space<any>> -> memref<32x256x128xf32, #tpu.memory_space<any>>
      %dma_wait3A_56 = arith.constant 0 : i32
      %dma_wait3A_57 = arith.constant 0 : i32
      %dma_wait3A_58 = arith.constant 0 : i32
      %dma_wait3A_59 = tpu.memref_slice %arg3[%dma_wait3A_48, %dma_wait3A_56, %dma_wait3A_57, %dma_wait3A_58] : memref<4x32x256x128xf32, #tpu.memory_space<vmem>> -> memref<1x32x256x128xf32, #tpu.memory_space<vmem>>
      %dma_wait3A_60 = tpu.memref_squeeze %dma_wait3A_59 : memref<1x32x256x128xf32, #tpu.memory_space<vmem>> -> memref<32x256x128xf32, #tpu.memory_space<vmem>>
      tpu.wait_dma2 semaphore(%dma_wait3A_51 : memref<!tpu.dma_semaphore, #tpu.memory_space<semaphore_mem>>) src(%dma_wait3A_60 : memref<32x256x128xf32, #tpu.memory_space<vmem>>) dst(%dma_wait3A_55 : memref<32x256x128xf32, #tpu.memory_space<any>>)
      %dma_wait3A_61 = arith.constant 2 : i32
      %dma_wait3A_62 = arith.constant 2 : i32
      %dma_wait3A_63 = tpu.memref_slice %arg4[%dma_wait3A_62] : memref<4x!tpu.dma_semaphore, #tpu.memory_space<semaphore_mem>> -> memref<1x!tpu.dma_semaphore, #tpu.memory_space<semaphore_mem>>
      %dma_wait3A_64 = tpu.memref_squeeze %dma_wait3A_63 : memref<1x!tpu.dma_semaphore, #tpu.memory_space<semaphore_mem>> -> memref<!tpu.dma_semaphore, #tpu.memory_space<semaphore_mem>>
      %dma_wait3A_65 = arith.constant 960 : i32
      %dma_wait3A_66 = arith.constant 0 : i32
      %dma_wait3A_67 = arith.constant 0 : i32
      %dma_wait3A_68 = tpu.memref_slice %arg2[%dma_wait3A_65, %dma_wait3A_66, %dma_wait3A_67] : memref<1024x256x128xf32, #tpu.memory_space<any>> -> memref<32x256x128xf32, #tpu.memory_space<any>>
      %dma_wait3A_69 = arith.constant 0 : i32
      %dma_wait3A_70 = arith.constant 0 : i32
      %dma_wait3A_71 = arith.constant 0 : i32
      %dma_wait3A_72 = tpu.memref_slice %arg3[%dma_wait3A_61, %dma_wait3A_69, %dma_wait3A_70, %dma_wait3A_71] : memref<4x32x256x128xf32, #tpu.memory_space<vmem>> -> memref<1x32x256x128xf32, #tpu.memory_space<vmem>>
      %dma_wait3A_73 = tpu.memref_squeeze %dma_wait3A_72 : memref<1x32x256x128xf32, #tpu.memory_space<vmem>> -> memref<32x256x128xf32, #tpu.memory_space<vmem>>
      tpu.wait_dma2 semaphore(%dma_wait3A_64 : memref<!tpu.dma_semaphore, #tpu.memory_space<semaphore_mem>>) src(%dma_wait3A_73 : memref<32x256x128xf32, #tpu.memory_space<vmem>>) dst(%dma_wait3A_68 : memref<32x256x128xf32, #tpu.memory_space<any>>)
      %dma_wait3A_74 = arith.constant 3 : i32
      %dma_wait3A_75 = arith.constant 3 : i32
      %dma_wait3A_76 = tpu.memref_slice %arg4[%dma_wait3A_75] : memref<4x!tpu.dma_semaphore, #tpu.memory_space<semaphore_mem>> -> memref<1x!tpu.dma_semaphore, #tpu.memory_space<semaphore_mem>>
      %dma_wait3A_77 = tpu.memref_squeeze %dma_wait3A_76 : memref<1x!tpu.dma_semaphore, #tpu.memory_space<semaphore_mem>> -> memref<!tpu.dma_semaphore, #tpu.memory_space<semaphore_mem>>
      %dma_wait3A_78 = arith.constant 992 : i32
      %dma_wait3A_79 = arith.constant 0 : i32
      %dma_wait3A_80 = arith.constant 0 : i32
      %dma_wait3A_81 = tpu.memref_slice %arg2[%dma_wait3A_78, %dma_wait3A_79, %dma_wait3A_80] : memref<1024x256x128xf32, #tpu.memory_space<any>> -> memref<32x256x128xf32, #tpu.memory_space<any>>
      %dma_wait3A_82 = arith.constant 0 : i32
      %dma_wait3A_83 = arith.constant 0 : i32
      %dma_wait3A_84 = arith.constant 0 : i32
      %dma_wait3A_85 = tpu.memref_slice %arg3[%dma_wait3A_74, %dma_wait3A_82, %dma_wait3A_83, %dma_wait3A_84] : memref<4x32x256x128xf32, #tpu.memory_space<vmem>> -> memref<1x32x256x128xf32, #tpu.memory_space<vmem>>
      %dma_wait3A_86 = tpu.memref_squeeze %dma_wait3A_85 : memref<1x32x256x128xf32, #tpu.memory_space<vmem>> -> memref<32x256x128xf32, #tpu.memory_space<vmem>>
      tpu.wait_dma2 semaphore(%dma_wait3A_77 : memref<!tpu.dma_semaphore, #tpu.memory_space<semaphore_mem>>) src(%dma_wait3A_86 : memref<32x256x128xf32, #tpu.memory_space<vmem>>) dst(%dma_wait3A_81 : memref<32x256x128xf32, #tpu.memory_space<any>>)
    } else {
    }
    return
  }
  func.func @transform_0(%arg0: i32) -> (i32, i32) {
    %c0_i32 = arith.constant 0 : i32
    %c0_i32_0 = arith.constant 0 : i32
    return %arg0, %c0_i32 : i32, i32
  }
}

</mosaic_0001>

<sc_bundles>
// kernel: kernel.4.cloned.1.call-start
scs
__scs_entry_jumppad:
0x0: {  	(pc) =	sbr.rel $0x88, $3  }
0x1: {  	(tag) =	ssettag $0x0;
	lr =	simm.s32 $0x1  }
0x2: {  	[smem:$0x3F9D] =	sst lr;
	_ =	strace $0xD0000000  }
0x3: {  	_ = 	snop  }
0x4: {  	_ = 	snop  }
0x5: {  	_ = 	snop  }
0x6: {  	_ = 	snop  }
0x7: {  	_ = 	snop  }
__scs_overlays_trampoline_lowered:
0x8: {  	[smem:$0x3FAC] =	sst s0  }
0x9: {  	[smem:$0x3FAD] =	sst s1  }
0xa: {  	[smem:$0x3FAE] =	sst s2  }
0xb: {  	[smem:$0x3FAF] =	sst s3  }
0xc: {  	[smem:$0x3FB0] =	sst s4  }
0xd: {  	[smem:$0x3FB1] =	sst s5  }
0xe: {  	[smem:$0x3FB2] =	sst s6  }
0xf: {  	[smem:$0x3FB3] =	sst s7  }
0x10: {  	[smem:$0x3FB4] =	sst s8  }
0x11: {  	[smem:$0x3FB5] =	sst s9;
	s0 =	simm.s32 @!p0 $0x0  }
0x12: {  	s1 =	sld [smem:$0x3F9B];
	s0 =	simm.s32 @p0 $0x1  }
0x13: {  	[smem:$0x3FB6] =	sst s0;
	s0 =	simm.s32 @!p1 $0x0  }
0x14: {  	s2 =	sld [smem:$0x3F9A];
	s0 =	simm.s32 @p1 $0x1  }
0x15: {  	[smem:$0x3FB7] =	sst s0;
	s0 =	simm.s32 @!p2 $0x0  }
0x16: {  	s3 =	sld [smem:$0x3FDB];
	s0 =	simm.s32 @p2 $0x1  }
0x17: {  	s4 =	simm.s32 $0x1BF5;
	[smem:$0x3FB9] =	sst s0  }
0x18: {  	s0 =	sld [smem:$0x3F9C];
	_ =	swait.ge [sflag:s4], $0x0  }
0x19: {  	s7 =	sld [smem:$0x3F9D]  }
0x1a: {  	s8 =	sadd.s32 $0xFFFFE003, lr  }
0x1b: {  	s9 =	sadd.s32 $0xFFFFFEF7, lr;
	s5 =	simm.s32 $0xFFFFFFFF;
	p2 =	slt.u32 s8, $0xFFFFF086  }
0x1c: {  	p1 =	slt.u32 s9, $0xF7A;
	s5 =	simm.s32 @!p2 $0x0  }
0x1d: {  	s5 =	simm.s32 @p1 $0x1;
	p0 =	seq.s32 s7, s2  }
0x1e: {  	s7 =	smul.u32 @!p0 $0xF7A, s2;
	p2 =	seq.s32 @!p0 s5, $0x0  }
0x1f: {  	s9 =	smul.u32 $0xF7A, s1;
	s8 =	simm.s32 @!p0 $0x1BF5;
	p2 =	por !p2, p0  }
0x20: {  	[sflag:s8] =	ssyncset.s32 @!p0 $0xFFFFF086;
	s6 =	sadd.s32 @!p0 s3, s7;
	s7 =	simm.s32 @!p0 $0x108  }
0x21: {  	s3 =	sadd.s32 s3, s9;
	s6 =	sadd.s32 @!p0 $0x88, s6;
	s7 =	simm.s32 @p2 $0x1082  }
0x22: {  	[simem:s7], [sflag:s8] =	dma.local @!p0 [hbm:s6], $0xF7A  }
0x23: {  	s9 =	sor.u32 $0xD0000000, s2;
	s6 =	simm.s32 $0x108;
	_ =	swait.ge @!p0 [sflag:s8], $0x0  }
0x24: {  	s3 =	sadd.s32 $0x88, s3;
	s6 =	simm.s32 @!p1 $0x1082;
	[sflag:s4] =	ssyncset.s32 $0xFFFFF086  }
0x25: {  	[simem:s6], [sflag:s4] =	dma.local [hbm:s3], $0xF7A  }
0x26: {  	[smem:$0x3F9D] =	sst s1;
	(tag) =	ssettag s2;
	_ =	strace s9  }
0x27: {  	s1 =	sld [smem:$0x3FAD]  }
0x28: {  	s2 =	sld [smem:$0x3FAE]  }
0x29: {  	s4 =	sld [smem:$0x3FB0]  }
0x2a: {  	p0 =	seq.s32 s5, $0x0;
	s5 =	sld [smem:$0x3FB1]  }
0x2b: {  	s6 =	sld [smem:$0x3FB2]  }
0x2c: {  	s7 =	sld [smem:$0x3FB3]  }
0x2d: {  	s3 =	simm.s32 $0x108;
	s8 =	sld [smem:$0x3FB4]  }
0x2e: {  	s3 =	simm.s32 @!p0 $0x1082;
	s9 =	sld [smem:$0x3FB5]  }
0x2f: {  	lr =	sadd.s32 s0, s3;
	s0 =	sld [smem:$0x3FAC]  }
0x30: {  	s3 =	sld [smem:$0x3FAF]  }
0x31: {  	[smem:$0x3FB8] =	sst s10  }
0x32: {  	s10 =	sld [smem:$0x3FB6];
	_ =	sdelay $0x3  }
0x33: {  	p0 =	seq.s32 s10, $0x1;
	s10 =	sld [smem:$0x3FB8];
	_ =	sdelay $0x3  }
0x34: {  	[smem:$0x3FB8] =	sst s10  }
0x35: {  	s10 =	sld [smem:$0x3FB7];
	_ =	sdelay $0x3  }
0x36: {  	p1 =	seq.s32 s10, $0x1;
	s10 =	sld [smem:$0x3FB8];
	_ =	sdelay $0x3  }
0x37: {  	[smem:$0x3FB8] =	sst s10  }
0x38: {  	s10 =	sld [smem:$0x3FB9]  }
0x39: {  	_ = 	snop;
	(pc) =	sbr.ind lr, $3  }
0x3a: {  	_ = 	snop  }
0x3b: {  	_ = 	snop  }
0x3c: {  	p2 =	seq.s32 s10, $0x1;
	s10 =	sld [smem:$0x3FB8]  }
0x3d: {  	_ =	shalt  }
0x3e: {  	_ =	shalt  }
0x3f: {  	_ =	shalt  }
0x40: {  	_ =	shalt  }
0x41: {  	_ =	shalt  }
0x42: {  	_ =	shalt  }
0x43: {  	_ =	shalt  }
0x44: {  	_ =	shalt  }
0x45: {  	_ =	shalt  }
0x46: {  	_ =	shalt  }
0x47: {  	_ =	shalt  }
0x48: {  	_ =	shalt  }
0x49: {  	_ =	shalt  }
0x4a: {  	_ =	shalt  }
0x4b: {  	_ =	shalt  }
0x4c: {  	_ =	shalt  }
0x4d: {  	_ =	shalt  }
0x4e: {  	_ =	shalt  }
0x4f: {  	_ =	shalt  }
0x50: {  	_ =	shalt  }
0x51: {  	_ =	shalt  }
0x52: {  	_ =	shalt  }
0x53: {  	_ =	shalt  }
0x54: {  	_ =	shalt  }
0x55: {  	_ =	shalt  }
0x56: {  	_ =	shalt  }
0x57: {  	_ =	shalt  }
0x58: {  	_ =	shalt  }
0x59: {  	_ =	shalt  }
0x5a: {  	_ =	shalt  }
0x5b: {  	_ =	shalt  }
0x5c: {  	_ =	shalt  }
0x5d: {  	_ =	shalt  }
0x5e: {  	_ =	shalt  }
0x5f: {  	_ =	shalt  }
0x60: {  	_ =	shalt  }
0x61: {  	_ =	shalt  }
0x62: {  	_ =	shalt  }
0x63: {  	_ =	shalt  }
0x64: {  	_ =	shalt  }
0x65: {  	_ =	shalt  }
0x66: {  	_ =	shalt  }
0x67: {  	_ =	shalt  }
0x68: {  	_ =	shalt  }
0x69: {  	_ =	shalt  }
0x6a: {  	_ =	shalt  }
0x6b: {  	_ =	shalt  }
0x6c: {  	_ =	shalt  }
0x6d: {  	_ =	shalt  }
0x6e: {  	_ =	shalt  }
0x6f: {  	_ =	shalt  }
0x70: {  	_ =	shalt  }
0x71: {  	_ =	shalt  }
0x72: {  	_ =	shalt  }
0x73: {  	_ =	shalt  }
0x74: {  	_ =	shalt  }
0x75: {  	_ =	shalt  }
0x76: {  	_ =	shalt  }
0x77: {  	_ =	shalt  }
0x78: {  	_ =	shalt  }
0x79: {  	_ =	shalt  }
0x7a: {  	_ =	shalt  }
0x7b: {  	_ =	shalt  }
0x7c: {  	_ =	shalt  }
0x7d: {  	_ =	shalt  }
0x7e: {  	_ =	shalt  }
0x7f: {  	_ =	shalt  }
0x80: {  	_ =	shalt  }
0x81: {  	_ =	shalt  }
0x82: {  	_ =	shalt  }
0x83: {  	_ =	shalt  }
0x84: {  	_ =	shalt  }
0x85: {  	_ =	shalt  }
0x86: {  	_ =	shalt  }
0x87: {  	_ =	shalt  }
.Lfunc_end0:
.L_simem_size_0:
called_computation_lowered:
.L_overlay_start_0:
0x88: {  	s2 =	sld [smem:$0x3FD9]  }
0x89: {  	s3 =	sld [smem:$0x3FFE];
	_ =	sdelay $0x1  }
0x8a: {  	s1 =	srdreg.scid  }
0x8b: {  	s0 =	sand.u32 $0x1, s1  }
0x8c: {  	s17 =	sshll.u32 s0, $0xA;
	s2 =	sadd.s32 s3, s2  }
0x8d: {  	s2 =	sadd.s32 s2, s17  }
0x8e: {  	[smem:$0x3FC4] =	sst s2  }
0x8f: {  	_ = 	snop  }
0x90: {  	s2 =	sld [smem:$0x3FC7]  }
0x91: {  	s18 =	sld [smem:$0x3FC6]  }
0x92: {  	s4 =	sld [smem:$0x3FD0];
	(tm) =	ssettm $0x1  }
0x93: {  	s5 =	sld [smem:$0x3FFB];
	_ =	sdelay $0x3  }
0x94: {  	_ =	strace s5  }
0x95: {  	s5 =	sld [smem:$0x3FFC];
	_ =	sdelay $0x3  }
0x96: {  	_ =	strace s5  }
0x97: {  	s5 =	sld [smem:$0x3FFD];
	_ =	sdelay $0x3  }
0x98: {  	_ =	strace s5  }
0x99: {  	_ =	strace $0x8FFFFFFF  }
0x9a: {  	s19 =	sld [smem:$0x3FDB];
	_ =	sdelay $0x1  }
0x9b: {  	s6 =	simm.s32 $_scs_section_size  }
0x9c: {  	s7 =	simm.s32 $_size__tile_overlayer_lowered;
	s8 =	simm.s32 $_tile_overlayer_lowered  }
0x9d: {  	s22 =	simm.s32 $0x1BFF;
	s21 =	sshll.u32 s8, $0x1;
	s5 =	sadd.s32 s6, s19  }
0x9e: {  	s9 =	simm.s32 $0x0;
	s20 =	sshll.u32 s7, $0x1;
	s7 =	sadd.s32 s21, s5  }
0x9f: {  	[timem:s9], [sflag:s22] =	dma.local [hbm:s7], s20  }
0xa0: {  	_ =	swait.ge [sflag:s22], s20  }
0xa1: {  	s6 =	ssub.s32 $0x0, s20;
	[sflag:s22] =	ssyncset.done $0x0  }
0xa2: {  	[sflag:s22] =	ssyncadd.s32 s6;
	_ =	sdelay $0x1  }
0xa3: {  	s23 =	simm.s32 $0x1B8B  }
0xa4: {  	_ =	swait.ge [sflag:s23], $0x1  }
0xa5: {  	[sflag:s23] =	ssyncset.done $0x0  }
0xa6: {  	s25 =	simm.s32 $0x1B8E;
	s24 =	sld [smem:$0x3FFE];
	[sflag:s23] =	ssyncadd.s32 $0xFFFFFFFF  }
0xa7: {  	s26 =	simm.s32 $execute0_lowered;
	[smem:$0x3FD2] =	sst s25  }
0xa8: {  	s7 =	sshll.u32 s26, $0x1;
	_ =	strace $0x80000046;
	[dreg:$0x1] =	wrdreg $0xFFFFFFFF  }
0xa9: {  	s28 =	simm.s32 $_size_execute0_lowered;
	s5 =	sadd.s32 s5, s7;
	[dreg:$0x0] =	wrdreg $0x0  }
0xaa: {  	s7 =	sshll.u32 s28, $0x1;
	[dreg:$0x2] =	wrdreg s5  }
0xab: {  	[dreg:$0x3] =	wrdreg s7  }
0xac: {  	[dreg:$0x4] =	wrdreg $0xC0  }
0xad: {  	_ =	task [dreg:s9], $0x5FFFF  }
0xae: {  	[dreg:$0x1] =	wrdreg $0xFFFFFFFF  }
0xaf: {  	[dreg:$0x0] =	wrdreg $0x60  }
0xb0: {  	[dreg:$0x2] =	wrdreg s24  }
0xb1: {  	[dreg:$0x3] =	wrdreg s4  }
0xb2: {  	[dreg:$0x4] =	wrdreg s2  }
0xb3: {  	[dreg:$0x5] =	wrdreg s18  }
0xb4: {  	[dreg:$0x6] =	wrdreg $0x9  }
0xb5: {  	_ =	task.clear_ibuf [dreg:s9], $0x7FFFF;
	_ =	strace $0x90000046  }
0xb6: {  	s29 =	simm.s32 $0x9;
	_ =	strace $0x80000048  }
0xb7: {  	_ =	swait.ge [sflag:s29], $0x1  }
0xb8: {  	[sflag:s29] =	ssyncadd.s32 $0xFFFFFFFF  }
0xb9: {  	_ =	strace $0x90000048  }
0xba: {  	_ =	sfence  }
0xbb: {  	s30 =	sld [smem:$0x0];
	_ =	sdelay $0x2  }
0xbc: {  	s31 =	sshll.u32 s1, $0xD;
	s1 =	sshrl.u32 s1, $0x2  }
0xbd: {  	s3 =	sand.u32 $0x4000, s31;
	s1 =	sadd.s32 s1, s30  }
0xbe: {  	s0 =	sor.u32 s3, s0;
	s1 =	sshll.u32 s1, $0x11  }
0xbf: {  	s0 =	sor.u32 s1, s0  }
0xc0: {  	s0 =	sadd.s32 $0x8F2B, s0  }
0xc1: {  	[sflag:s0] =	ssyncadd.remote.s32 $0x1  }
0xc2: {  	_ =	sfence.sel $0xFFFF  }
0xc3: {  	[dreg:$0x0] =	wrdreg $0xFFFFFFFF;
	(pc) =	sbr.abs _section_cstart, $3  }
0xc4: {  	[dreg:$0x1] =	wrdreg $0xFFFFFFFF  }
0xc5: {  	_ =	task.clear_ibuf [dreg:s9], $0x2FFFF;
	_ =	strace $0x9FFFFFFF  }
0xc6: {  	(tm) =	ssettm $0x7FFFFFFF  }
0xc7: {  	_ =	shalt  }
tec
execute0_lowered:
.L_overlay_start_1:
0x0: {  	(tag) =	ssettag $0x1  }
0x1: {  	s5 =	rddreg [dreg:$0x0]  }
0x2: {  	s6 =	rddreg [dreg:$0x1]  }
0x3: {  	s1 =	rddreg [dreg:$0x2]  }
0x4: {  	s3 =	rddreg [dreg:$0x3]  }
0x5: {  	s0 =	rddreg [dreg:$0x4];
	s4 =	simm.s32 $0x0;
	s7 =	srdreg.scid  }
0x6: {  	s2 =	stileid.u32;
	s12 =	simm.s32 $0x1;
	s13 =	simm.s32 $0x2  }
0x7: {  	s14 =	simm.s32 $0x3;
	s15 =	simm.s32 $0x4;
	s16 =	simm.s32 $0x6000  }
0x8: {  	s17 =	simm.s32 $0x5;
	s7 =	sand.u32 $0x1, s7;
	s8 =	sshll.u32 s2, $0x1  }
0x9: {  	s18 =	simm.s32 $0x0;
	[smem:$0x7FF] =	sst s4;
	s8 =	sor.u32 s7, s8  }
0xa: {  	v0 =	vlaneseq.u32;
	_ =	strace $0x80000047;
	s7 =	ssub.s32 $0x2, s7;
	s9 =	sshll.u32 s8, $0xB  }
0xb: {  	v0 =	vmul.u32 $0x2, v0;
	s8 =	sshll.u32 s8, $0xA;
	s31 =	sshrl.u32 s7, $0x1;
	s9 =	sadd.s32 s9, s5  }
0xc: {  	s10 =	sadd.s32 s8, s5;
	s11 =	ssub.s32 s7, s31;
	s6 =	sadd.s32 s6, s8  }
0xd: {  	v1 =	vor.u32 $0x1, v0;
	s5 =	sadd.s32 $0x600, s9;
	s7 =	sadd.s32 $0x10600, s10;
	s8 =	smax.u32 s11, $0x1  }
0xe: {  	v2 =	vor.u32 $0x21, v0;
	v3 =	vor.u32 $0x41, v0;
	v4 =	vor.u32 $0x61, v0;
	s9 =	simm.s32 $0x4000;
	s10 =	simm.s32 $0x8000;
	s11 =	simm.s32 $0x8200  }
.LBB2_1:
0xf: {  	[tilespmem:s4], [sflag:$0x1] =	stream.linear.gather [hbm4b:s5+s4], $0x4000, $0x38;
	[tilespmem:$0x8400] =	vst v63  }
0x10: {  	_ = 	snop  }
0x11: {  	[tilespmem:s9], [sflag:$0x2] =	stream.linear.gather [hbm4b:s6+s4], $0x2000, $0x38;
	[tilespmem:$0x8400] =	vst v63  }
0x12: {  	_ = 	snop  }
0x13: {  	[tilespmem:s10], [sflag:$0x3] =	stream.linear.gather [hbm4b:s1+s4], $0x200, $0x38;
	[tilespmem:$0x8400] =	vst v63  }
0x14: {  	_ = 	snop  }
0x15: {  	[tilespmem:s11], [sflag:$0x4] =	stream.linear.gather [hbm4b:s3+s4], $0x200, $0x38;
	[tilespmem:$0x8400] =	vst v63  }
0x16: {  	_ =	swait.ge [sflag:s12], $0x4000  }
0x17: {  	[sflag:s12] =	ssyncset.done $0x0  }
0x18: {  	[sflag:s12] =	ssyncadd.s32 $0xFFFFC000  }
0x19: {  	_ =	swait.ge [sflag:s13], $0x2000  }
0x1a: {  	[sflag:s13] =	ssyncset.done $0x0  }
0x1b: {  	[sflag:s13] =	ssyncadd.s32 $0xFFFFE000  }
0x1c: {  	s20 =	simm.s32 $0xE0;
	_ =	swait.ge [sflag:s14], $0x200  }
0x1d: {  	s19 =	simm.s32 $0xC0;
	v5 =	vor.u32 s20, v0;
	[sflag:s14] =	ssyncset.done $0x0  }
0x1e: {  	v6 =	vor.u32 s19, v0;
	[sflag:s14] =	ssyncadd.s32 $0xFFFFFE00  }
0x1f: {  	s21 =	simm.s32 $0x0;
	v7 =	vor.u32 s19, v3;
	_ =	swait.ge [sflag:s15], $0x200  }
0x20: {  	v8 =	vor.u32 s21, v0;
	[sflag:s15] =	ssyncset.done $0x0  }
0x21: {  	s28 =	simm.s32 $0x20;
	v9 =	vor.u32 s21, v1;
	[sflag:s15] =	ssyncadd.s32 $0xFFFFFE00  }
0x22: {  	v10 =	vor.u32 s28, v0;
	v5 =	vld.idx.msk [tilespmem:v5+s4+$0x0], $0xffff  }
0x23: {  	s29 =	simm.s32 $0x40;
	v11 =	vor.u32 s28, v2;
	v6 =	vld.idx.msk [tilespmem:v6+s4+$0x0], $0xffff  }
0x24: {  	v12 =	vor.u32 s29, v0;
	v7 =	vld.idx.msk [tilespmem:v7+s4+$0x0], $0xffff  }
0x25: {  	s30 =	simm.s32 $0x60;
	v13 =	vor.u32 s29, v3;
	v8 =	vld.idx.msk [tilespmem:v8+s4+$0x0], $0xffff  }
0x26: {  	v14 =	vor.u32 s30, v0;
	v9 =	vld.idx.msk [tilespmem:v9+s4+$0x0], $0xffff  }
0x27: {  	v10 =	vld.idx.msk [tilespmem:v10+s4+$0x0], $0xffff  }
0x28: {  	s31 =	simm.s32 $0x80;
	v16 =	vor.u32 s30, v4;
	v11 =	vld.idx.msk [tilespmem:v11+s4+$0x0], $0xffff  }
0x29: {  	v18 =	vor.u32 s31, v0;
	v12 =	vld.idx.msk [tilespmem:v12+s4+$0x0], $0xffff  }
0x2a: {  	s22 =	simm.s32 $0xA0;
	v19 =	vor.u32 s31, v1;
	v13 =	vld.idx.msk [tilespmem:v13+s4+$0x0], $0xffff  }
0x2b: {  	s19 =	simm.s32 $0x4040;
	v20 =	vor.u32 s22, v0;
	v14 =	vld.idx.msk [tilespmem:v14+s4+$0x0], $0xffff  }
0x2c: {  	v21 =	vor.u32 s22, v2;
	v22 =	vld [tilespmem:s19+$0x20]  }
0x2d: {  	v23 =	vor.u32 s20, v4;
	v16 =	vld.idx.msk [tilespmem:v16+s4+$0x0], $0xffff  }
0x2e: {  	v18 =	vld.idx.msk [tilespmem:v18+s4+$0x0], $0xffff  }
0x2f: {  	v19 =	vld.idx.msk [tilespmem:v19+s4+$0x0], $0xffff  }
0x30: {  	v20 =	vld.idx.msk [tilespmem:v20+s4+$0x0], $0xffff  }
0x31: {  	v21 =	vld.idx.msk [tilespmem:v21+s4+$0x0], $0xffff  }
0x32: {  	v23 =	vld.idx.msk [tilespmem:v23+s4+$0x0], $0xffff  }
0x33: {  	v15 =	vld.idx.msk [tilespmem:v6+s10+$0x0], $0xffff  }
0x34: {  	v17 =	vld.idx.msk [tilespmem:v7+s10+$0x0], $0xffff  }
0x35: {  	v6 =	vld.idx.msk [tilespmem:v6+s11+$0x0], $0xffff  }
0x36: {  	v7 =	vld.idx.msk [tilespmem:v7+s11+$0x0], $0xffff  }
0x37: {  	v24 =	vld.idx.msk [tilespmem:v8+s10+$0x0], $0xffff  }
0x38: {  	v25 =	vld.idx.msk [tilespmem:v9+s10+$0x0], $0xffff  }
0x39: {  	v26 =	vld.idx.msk [tilespmem:v10+s10+$0x0], $0xffff  }
0x3a: {  	v27 =	vld.idx.msk [tilespmem:v11+s10+$0x0], $0xffff  }
0x3b: {  	v28 =	vld.idx.msk [tilespmem:v12+s10+$0x0], $0xffff  }
0x3c: {  	v29 =	vld.idx.msk [tilespmem:v13+s10+$0x0], $0xffff  }
0x3d: {  	v30 =	vld.idx.msk [tilespmem:v14+s10+$0x0], $0xffff  }
0x3e: {  	v31 =	vld.idx.msk [tilespmem:v16+s10+$0x0], $0xffff  }
0x3f: {  	v32 =	vld.idx.msk [tilespmem:v18+s10+$0x0], $0xffff  }
0x40: {  	v33 =	vld.idx.msk [tilespmem:v19+s10+$0x0], $0xffff  }
0x41: {  	v34 =	vld.idx.msk [tilespmem:v20+s10+$0x0], $0xffff  }
0x42: {  	v35 =	vld.idx.msk [tilespmem:v21+s10+$0x0], $0xffff  }
0x43: {  	v36 =	vld.idx.msk [tilespmem:v5+s10+$0x0], $0xffff  }
0x44: {  	v37 =	vld.idx.msk [tilespmem:v23+s10+$0x0], $0xffff  }
0x45: {  	v38 =	vld.idx.msk [tilespmem:v8+s11+$0x0], $0xffff  }
0x46: {  	v39 =	vld.idx.msk [tilespmem:v10+s11+$0x0], $0xffff  }
0x47: {  	v40 =	vld.idx.msk [tilespmem:v11+s11+$0x0], $0xffff;
	v8 =	vand.u32 $0x7FFFFFFF, v15;
	v15 =	vand.u32 $0x7FFFFFFF, v17  }
0x48: {  	v41 =	vld.idx.msk [tilespmem:v13+s11+$0x0], $0xffff;
	v8 =	vadd.f32 v15, v8  }
0x49: {  	v61 =	vld.idx.msk [tilespmem:v14+s11+$0x0], $0xffff  }
0x4a: {  	v62 =	vld.idx.msk [tilespmem:v16+s11+$0x0], $0xffff;
	v6 =	vadd.f32 v7, v6;
	v7 =	vmul.f32 v22, v8  }
0x4b: {  	v17 =	vld.idx.msk [tilespmem:v9+s11+$0x0], $0xffff;
	v9 =	vand.u32 $0x7FFFFFFF, v29;
	v10 =	vand.u32 $0x7FFFFFFF, v31  }
0x4c: {  	v63 =	vld.idx.msk [tilespmem:v18+s11+$0x0], $0xffff;
	v42 =	vadd.f32 v7, v6;
	v6 =	vand.u32 $0x7FFFFFFF, v24;
	v7 =	vand.u32 $0x7FFFFFFF, v25  }
0x4d: {  	v19 =	vld.idx.msk [tilespmem:v19+s11+$0x0], $0xffff;
	v8 =	vand.u32 $0x7FFFFFFF, v27;
	v6 =	vadd.f32 v7, v6;
	v7 =	vand.u32 $0x7FFFFFFF, v26  }
0x4e: {  	v13 =	vld.idx.msk [tilespmem:v20+s11+$0x0], $0xffff;
	v11 =	vand.u32 $0x7FFFFFFF, v33;
	v7 =	vadd.f32 v8, v7;
	v8 =	vand.u32 $0x7FFFFFFF, v28  }
0x4f: {  	v14 =	vand.u32 $0x7FFFFFFF, v37;
	v22 =	vld.idx.msk [tilespmem:v12+s11+$0x0], $0xffff;
	v8 =	vadd.f32 v9, v8;
	v9 =	vand.u32 $0x7FFFFFFF, v30  }
0x50: {  	v18 =	vld.idx.msk [tilespmem:v21+s11+$0x0], $0xffff;
	v16 =	vadd.f32 v40, v39;
	v9 =	vadd.f32 v10, v9;
	v10 =	vand.u32 $0x7FFFFFFF, v32  }
0x51: {  	v21 =	vld.idx.msk [tilespmem:v23+s11+$0x0], $0xffff;
	v12 =	vand.u32 $0x7FFFFFFF, v35;
	v10 =	vadd.f32 v11, v10;
	v11 =	vand.u32 $0x7FFFFFFF, v34  }
0x52: {  	v23 =	vld [tilespmem:s19+$0xFFFFFFD0];
	v20 =	vadd.f32 v62, v61;
	v11 =	vadd.f32 v12, v11;
	v12 =	vand.u32 $0x7FFFFFFF, v36  }
0x53: {  	s20 =	simm.s32 $0x6040;
	v19 =	vadd.f32 v19, v63;
	v15 =	vld.idx.msk [tilespmem:v5+s11+$0x0], $0xffff;
	v12 =	vadd.f32 v14, v12  }
0x54: {  	s21 =	simm.s32 $0x0;
	s22 =	simm.s32 $0x1E0;
	[tilespmem:s20+$0x20] =	vst v42;
	v14 =	vadd.f32 v17, v38;
	v17 =	vadd.f32 v41, v22;
	v22 =	vld [tilespmem:s19+$0xFFFFFFC0]  }
.LBB2_2:
0x55: {  	s23 =	sadd.s32 $0xFFFFFF40, s22;
	s24 =	sadd.s32 $0xFFFFFF60, s22;
	s25 =	sadd.s32 $0xFFFFFFE0, s22;
	v5 =	vor.u32 s22, v0;
	v24 =	vor.u32 s22, v4;
	v25 =	vld [tilespmem:s19+$0xFFFFFFE0]  }
0x56: {  	s26 =	sadd.s32 $0xFFFFFFA0, s22;
	s21 =	sadd.s32 $0x8, s21;
	v26 =	vor.u32 s23, v0;
	v27 =	vor.u32 s23, v2;
	s23 =	sadd.s32 $0xFFFFFF80, s22;
	v28 =	vor.u32 s25, v0;
	v29 =	vld [tilespmem:s19+$0xFFFFFFF0]  }
0x57: {  	s28 =	sadd.s32 $0xFFFFFF20, s22;
	v30 =	vor.u32 s24, v0;
	v31 =	vor.u32 s24, v3;
	s24 =	sadd.s32 $0xFFFFFFC0, s22;
	v32 =	vor.u32 s25, v3;
	p0 =	slt.u32 s21, $0x1F8;
	v33 =	vld [tilespmem:s19+$0x0]  }
0x58: {  	v34 =	vor.u32 s28, v0;
	v35 =	vor.u32 s28, v1;
	v36 =	vor.u32 s23, v0;
	v37 =	vld [tilespmem:s19+$0x10]  }
0x59: {  	v39 =	vor.u32 s26, v0;
	v40 =	vor.u32 s26, v1;
	v38 =	vor.u32 s23, v4;
	v41 =	vld [tilespmem:s19+$0x30]  }
0x5a: {  	v42 =	vor.u32 s24, v0;
	v43 =	vor.u32 s24, v2;
	v6 =	vmul.f32 v22, v6;
	v5 =	vld.idx.msk [tilespmem:v5+s4+$0x0], $0xffff  }
0x5b: {  	v13 =	vadd.f32 v18, v13;
	v7 =	vmul.f32 v23, v7;
	v8 =	vmul.f32 v25, v8;
	v22 =	vld.idx.msk [tilespmem:v28+s4+$0x0], $0xffff  }
0x5c: {  	v15 =	vadd.f32 v21, v15;
	v9 =	vmul.f32 v29, v9;
	v18 =	vld.idx.msk [tilespmem:v32+s4+$0x0], $0xffff;
	v10 =	vmul.f32 v33, v10  }
0x5d: {  	v6 =	vadd.f32 v6, v14;
	v7 =	vadd.f32 v7, v16;
	v21 =	vld.idx.msk [tilespmem:v34+s4+$0x0], $0xffff;
	v11 =	vmul.f32 v37, v11  }
0x5e: {  	v8 =	vadd.f32 v8, v17;
	v9 =	vadd.f32 v9, v20;
	v14 =	vld.idx.msk [tilespmem:v35+s4+$0x0], $0xffff;
	v12 =	vmul.f32 v41, v12  }
0x5f: {  	v16 =	vld.idx.msk [tilespmem:v26+s4+$0x0], $0xffff;
	[tilespmem:s20+$0xFFFFFFC0] =	vst v6;
	v6 =	vadd.f32 v10, v19;
	v10 =	vadd.f32 v11, v13  }
0x60: {  	v11 =	vld.idx.msk [tilespmem:v27+s4+$0x0], $0xffff;
	[tilespmem:s20+$0xFFFFFFD0] =	vst v7;
	v7 =	vadd.f32 v12, v15  }
0x61: {  	v12 =	vld.idx.msk [tilespmem:v30+s4+$0x0], $0xffff;
	[tilespmem:s20+$0xFFFFFFE0] =	vst v8  }
0x62: {  	v13 =	vld.idx.msk [tilespmem:v31+s4+$0x0], $0xffff;
	[tilespmem:s20+$0xFFFFFFF0] =	vst v9  }
0x63: {  	v8 =	vld.idx.msk [tilespmem:v22+s10+$0x0], $0xffff;
	[tilespmem:s20+$0x0] =	vst v6  }
0x64: {  	v6 =	vld.idx.msk [tilespmem:v18+s10+$0x0], $0xffff;
	[tilespmem:s20+$0x10] =	vst v10  }
0x65: {  	v15 =	vld.idx.msk [tilespmem:v36+s4+$0x0], $0xffff;
	[tilespmem:s20+$0x30] =	vst v7  }
0x66: {  	v7 =	vld.idx.msk [tilespmem:v22+s11+$0x0], $0xffff  }
0x67: {  	s19 =	sadd.s32 $0x80, s19;
	v9 =	vld.idx.msk [tilespmem:v18+s11+$0x0], $0xffff  }
0x68: {  	v10 =	vld [tilespmem:s19+$0x20]  }
0x69: {  	v17 =	vld.idx.msk [tilespmem:v38+s4+$0x0], $0xffff  }
0x6a: {  	v8 =	vand.u32 $0x7FFFFFFF, v8;
	v6 =	vand.u32 $0x7FFFFFFF, v6;
	v18 =	vld.idx.msk [tilespmem:v39+s4+$0x0], $0xffff  }
0x6b: {  	v6 =	vadd.f32 v6, v8;
	v19 =	vld.idx.msk [tilespmem:v40+s4+$0x0], $0xffff  }
0x6c: {  	v20 =	vld.idx.msk [tilespmem:v42+s4+$0x0], $0xffff  }
0x6d: {  	v7 =	vadd.f32 v9, v7;
	v22 =	vld.idx.msk [tilespmem:v43+s4+$0x0], $0xffff;
	v6 =	vmul.f32 v10, v6  }
0x6e: {  	v23 =	vld.idx.msk [tilespmem:v24+s4+$0x0], $0xffff  }
0x6f: {  	v8 =	vld.idx.msk [tilespmem:v21+s10+$0x0], $0xffff;
	v6 =	vadd.f32 v6, v7  }
0x70: {  	s20 =	sadd.s32 $0x80, s20;
	v7 =	vld.idx.msk [tilespmem:v14+s10+$0x0], $0xffff  }
0x71: {  	v9 =	vld.idx.msk [tilespmem:v16+s10+$0x0], $0xffff;
	[tilespmem:s20+$0x20] =	vst v6  }
0x72: {  	v10 =	vld.idx.msk [tilespmem:v11+s10+$0x0], $0xffff  }
0x73: {  	v24 =	vld.idx.msk [tilespmem:v12+s10+$0x0], $0xffff  }
0x74: {  	v25 =	vld.idx.msk [tilespmem:v13+s10+$0x0], $0xffff  }
0x75: {  	v6 =	vand.u32 $0x7FFFFFFF, v8;
	v26 =	vld.idx.msk [tilespmem:v15+s10+$0x0], $0xffff  }
0x76: {  	v7 =	vand.u32 $0x7FFFFFFF, v7;
	v27 =	vld.idx.msk [tilespmem:v17+s10+$0x0], $0xffff  }
0x77: {  	v6 =	vadd.f32 v7, v6;
	v7 =	vand.u32 $0x7FFFFFFF, v9;
	v28 =	vld.idx.msk [tilespmem:v18+s10+$0x0], $0xffff  }
0x78: {  	v8 =	vand.u32 $0x7FFFFFFF, v10;
	v10 =	vld.idx.msk [tilespmem:v19+s10+$0x0], $0xffff  }
0x79: {  	v7 =	vadd.f32 v8, v7;
	v8 =	vand.u32 $0x7FFFFFFF, v24;
	v24 =	vld.idx.msk [tilespmem:v20+s10+$0x0], $0xffff  }
0x7a: {  	v9 =	vand.u32 $0x7FFFFFFF, v25;
	v25 =	vld.idx.msk [tilespmem:v22+s10+$0x0], $0xffff  }
0x7b: {  	v8 =	vadd.f32 v9, v8;
	v9 =	vand.u32 $0x7FFFFFFF, v26;
	v26 =	vld.idx.msk [tilespmem:v5+s10+$0x0], $0xffff  }
0x7c: {  	v27 =	vand.u32 $0x7FFFFFFF, v27;
	v29 =	vld.idx.msk [tilespmem:v23+s10+$0x0], $0xffff  }
0x7d: {  	v9 =	vadd.f32 v27, v9;
	v27 =	vand.u32 $0x7FFFFFFF, v28;
	v21 =	vld.idx.msk [tilespmem:v21+s11+$0x0], $0xffff  }
0x7e: {  	v10 =	vand.u32 $0x7FFFFFFF, v10;
	v14 =	vld.idx.msk [tilespmem:v14+s11+$0x0], $0xffff  }
0x7f: {  	v10 =	vadd.f32 v10, v27;
	v24 =	vand.u32 $0x7FFFFFFF, v24;
	v16 =	vld.idx.msk [tilespmem:v16+s11+$0x0], $0xffff  }
0x80: {  	v27 =	vld.idx.msk [tilespmem:v11+s11+$0x0], $0xffff;
	v11 =	vand.u32 $0x7FFFFFFF, v25  }
0x81: {  	v25 =	vld.idx.msk [tilespmem:v12+s11+$0x0], $0xffff;
	v11 =	vadd.f32 v11, v24;
	v12 =	vand.u32 $0x7FFFFFFF, v26  }
0x82: {  	v24 =	vld.idx.msk [tilespmem:v13+s11+$0x0], $0xffff;
	v13 =	vand.u32 $0x7FFFFFFF, v29  }
0x83: {  	v26 =	vld.idx.msk [tilespmem:v15+s11+$0x0], $0xffff;
	v12 =	vadd.f32 v13, v12  }
0x84: {  	v14 =	vadd.f32 v14, v21;
	v21 =	vld.idx.msk [tilespmem:v17+s11+$0x0], $0xffff  }
0x85: {  	v28 =	vld.idx.msk [tilespmem:v18+s11+$0x0], $0xffff  }
0x86: {  	v16 =	vadd.f32 v27, v16;
	v19 =	vld.idx.msk [tilespmem:v19+s11+$0x0], $0xffff  }
0x87: {  	v13 =	vld.idx.msk [tilespmem:v20+s11+$0x0], $0xffff  }
.Ltmp0:
0x88: {  	v17 =	vadd.f32 v24, v25;
	v18 =	vld.idx.msk [tilespmem:v22+s11+$0x0], $0xffff;
	(pc) =	sbr.rel @p0 .LBB2_2-.Ltmp0, $4  }
0x89: {  	v15 =	vld.idx.msk [tilespmem:v5+s11+$0x0], $0xffff  }
0x8a: {  	v20 =	vadd.f32 v21, v26;
	v21 =	vld.idx.msk [tilespmem:v23+s11+$0x0], $0xffff  }
0x8b: {  	v22 =	vld [tilespmem:s19+$0xFFFFFFC0]  }
0x8c: {  	s22 =	sadd.s32 $0x100, s22;
	v19 =	vadd.f32 v19, v28;
	v23 =	vld [tilespmem:s19+$0xFFFFFFD0]  }
0x8d: {  	v5 =	vld [tilespmem:s19+$0xFFFFFFE0]  }
0x8e: {  	v24 =	vld [tilespmem:s19+$0xFFFFFFF0]  }
0x8f: {  	v25 =	vld [tilespmem:s19+$0x0]  }
0x90: {  	v26 =	vld [tilespmem:s19+$0x10];
	v6 =	vmul.f32 v22, v6  }
0x91: {  	v59 =	vld [tilespmem:s19+$0x30];
	v7 =	vmul.f32 v23, v7  }
0x92: {  	v5 =	vmul.f32 v5, v8;
	v6 =	vadd.f32 v6, v14  }
0x93: {  	v60 =	vmul.f32 v24, v9;
	v7 =	vadd.f32 v7, v16  }
0x94: {  	v61 =	vmul.f32 v25, v10;
	v5 =	vadd.f32 v5, v17;
	[tilespmem:s20+$0xFFFFFFC0] =	vst v6  }
0x95: {  	v62 =	vmul.f32 v26, v11;
	v6 =	vadd.f32 v18, v13;
	v8 =	vadd.f32 v60, v20;
	[tilespmem:s20+$0xFFFFFFD0] =	vst v7  }
0x96: {  	v63 =	vmul.f32 v59, v12;
	v9 =	vadd.f32 v61, v19;
	v7 =	vadd.f32 v21, v15;
	[tilespmem:s20+$0xFFFFFFE0] =	vst v5  }
0x97: {  	v5 =	vadd.f32 v62, v6;
	[tilespmem:s20+$0xFFFFFFF0] =	vst v8  }
0x98: {  	s18 =	sadd.s32 $0x1, s18;
	[tilespmem:s20+$0x0] =	vst v9;
	v6 =	vadd.f32 v63, v7  }
0x99: {  	p0 =	sne.s32 s18, s8;
	[tilespmem:s20+$0x10] =	vst v5  }
.Ltmp1:
0x9a: {  	[tilespmem:s20+$0x30] =	vst v6;
	(pc) =	sbr.rel @p0 .LBB2_1-.Ltmp1, $4  }
0x9b: {  	[hbm4b:s7+s4] =	stream.linear.scatter [tilespmem:s16], [sflag:$0x5], $0x2000, $0x38;
	[tilespmem:$0x8400] =	vst v63  }
0x9c: {  	_ =	swait.ge [sflag:s17], $0x2000  }
0x9d: {  	[sflag:s17] =	ssyncset.done $0x0  }
0x9e: {  	[sflag:s17] =	ssyncadd.s32 $0xFFFFE000  }
0x9f: {  	_ =	sfence.sel $0x180000  }
0xa0: {  	[bflag:$0x0] =	sbarrier.arrive $0xFFFF  }
0xa1: {  	p0 =	sne.s32 s2, $0x0;
	_ =	strace $0x90000047  }
0xa2: {  	s0 =	sadd.s32 @!p0 $0x100000, s0;
	[bflag:$0x2] =	sbarrier.arrive $0xFFFF  }
0xa3: {  	[sflag:s0] =	ssyncadd.tile.s32 @!p0 $0x1;
	_ =	shalt  }
.Lfunc_end2:
_tile_overlayer_lowered:
.L_overlay_start_2:
0xa4: {  	(tag) =	ssettag $0x2  }
0xa5: {  	s0 =	rddreg [dreg:$0x0];
	s2 =	stileid.u32  }
0xa6: {  	s1 =	rddreg [dreg:$0x1];
	p0 =	sne.s32 s2, $0x0  }
0xa7: {  	s3 =	rddreg [dreg:$0x2];
	[bflag:$0x3] =	sbarrier.arrive $0xFFFF;
	s2 =	simm.s32 @!p0 $0x1C05  }
0xa8: {  	[timem:s3], [sflag:s2] =	dma.local @!p0 [hbm:s0], s1  }
0xa9: {  	s0 =	simm.s32 @!p0 $0x5  }
0xaa: {  	_ =	swait.ge @!p0 [sflag:s0], s1  }
0xab: {  	s1 =	ssub.s32 @!p0 $0x0, s1;
	[sflag:s0] =	ssyncset.done @!p0 $0x0  }
0xac: {  	[sflag:s0] =	ssyncadd.s32 @!p0 s1  }
0xad: {  	[bflag:$0x3] =	sbarrier.arrive $0xFFFF  }
0xae: {  	_ =	shalt  }

</sc_bundles>
